<compile_context>
chip_gen: v7x
topology: tpu7x:2x2x1
jax: 0.10.2.dev20260603
libtpu: 0.0.44.dev20260713+nightly
codegen_flags: <defaults>
</compile_context>

<pallas_src>
import jax
import jax.numpy as jnp
from jax.experimental import pallas as pl
from jax.experimental.pallas import tpu as pltpu

_TINY = float(jnp.finfo(jnp.float32).tiny)
_VC = 4096

_rng_cache = {}


def _rng_consts(B, K, V):
    shp = (B, K, V)
    if shp not in _rng_cache:
        nchunk = (V + _VC - 1) // _VC
        key = jax.random.key(42)
        u = jax.random.uniform(jax.random.fold_in(key, 1), (B, K), dtype=jnp.float32)
        q = jax.random.exponential(jax.random.fold_in(key, 2), (B * K, V), dtype=jnp.float32)
        qinv = 1.0 / q
        qinv = jnp.pad(qinv, ((0, 0), (0, nchunk * _VC - V)))
        qinv = qinv.reshape(B * K, nchunk, _VC).transpose(1, 0, 2)
        qinv = qinv.reshape(nchunk, B, K, _VC)
        _rng_cache[shp] = (u.reshape(B, K, 1), jax.block_until_ready(qinv))
    return _rng_cache[shp]


def _chunk(B, K, V, masked, j, t_ref, d_ref, g_ref, tok_ref,
           selt_ref, seld_ref, rmax_ref, ridx_ref):
    t = t_ref[...]
    d = d_ref[...]
    g = g_ref[0]
    col = jax.lax.broadcasted_iota(jnp.int32, (B, K, _VC), 2) + j * _VC
    f = jnp.maximum(t - d, _TINY)
    m = f * g
    if masked:
        m = jnp.where(col < V, m, -jnp.inf)
    cmax = jnp.max(m, axis=2, keepdims=True)
    cloc = jnp.argmax(m, axis=2, keepdims=True).astype(jnp.int32)
    upd = cmax > rmax_ref[...]
    rmax_ref[...] = jnp.where(upd, cmax, rmax_ref[...])
    ridx_ref[...] = jnp.where(upd, cloc + j * _VC, ridx_ref[...])

    hit = col == tok_ref[...]
    selt_ref[...] += jnp.sum(jnp.where(hit, t, 0.0), axis=2, keepdims=True)
    seld_ref[...] += jnp.sum(jnp.where(hit, d, 0.0), axis=2, keepdims=True)


def _body(B, K, V, nchunk,
          t_ref, d_ref, g_ref, tok_ref, u_ref, out_ref,
          selt_ref, seld_ref, rmax_ref, ridx_ref):
    j = pl.program_id(0)

    @pl.when(j == 0)
    def _init():
        selt_ref[...] = jnp.zeros_like(selt_ref)
        seld_ref[...] = jnp.zeros_like(seld_ref)
        rmax_ref[...] = jnp.full_like(rmax_ref, -jnp.inf)
        ridx_ref[...] = jnp.zeros_like(ridx_ref)

    @pl.when(j < nchunk - 1)
    def _full():
        _chunk(B, K, V, False, j, t_ref, d_ref, g_ref, tok_ref,
               selt_ref, seld_ref, rmax_ref, ridx_ref)

    @pl.when(j == nchunk - 1)
    def _tail():
        _chunk(B, K, V, True, j, t_ref, d_ref, g_ref, tok_ref,
               selt_ref, seld_ref, rmax_ref, ridx_ref)

        st = selt_ref[...]
        sd = seld_ref[...]
        u = u_ref[...]
        ratio = jnp.minimum(st / sd, 1.0)
        accepted = u < ratio
        kidx = jax.lax.broadcasted_iota(jnp.int32, (B, K, 1), 1)
        limits = jnp.min(jnp.where(~accepted, kidx, K), axis=1, keepdims=True)
        outv = jnp.where(kidx < limits, tok_ref[...], -1)
        outv = jnp.where(kidx == limits, ridx_ref[...], outv)
        out_ref[:, :K, :] = outv
        out_ref[:, K:, :] = jnp.full((B, 1, 1), -1, jnp.int32)


def kernel(target_probs, bonus_token_ids, draft_probs, draft_token_ids):
    B, K, V = target_probs.shape
    del bonus_token_ids
    u3, qinv = _rng_consts(B, K, V)
    nchunk = (V + _VC - 1) // _VC
    tok3 = draft_token_ids.reshape(B, K, 1)

    big = pl.BlockSpec((B, K, _VC), lambda j: (0, 0, j))
    gspec = pl.BlockSpec((1, B, K, _VC), lambda j: (j, 0, 0, 0))
    small_i = pl.BlockSpec((B, K, 1), lambda j: (0, 0, 0))

    out3 = pl.pallas_call(
        lambda *refs: _body(B, K, V, nchunk, *refs),
        grid=(nchunk,),
        in_specs=[big, big, gspec, small_i, small_i],
        out_specs=pl.BlockSpec((B, K + 1, 1), lambda j: (0, 0, 0)),
        out_shape=jax.ShapeDtypeStruct((B, K + 1, 1), jnp.int32),
        scratch_shapes=[
            pltpu.VMEM((B, K, 1), jnp.float32),
            pltpu.VMEM((B, K, 1), jnp.float32),
            pltpu.VMEM((B, K, 1), jnp.float32),
            pltpu.VMEM((B, K, 1), jnp.int32),
        ],
        compiler_params=pltpu.CompilerParams(
            dimension_semantics=("arbitrary",),
        ),
    )(target_probs, draft_probs, qinv, tok3, u3)
    return out3.reshape(B, K + 1)

# --- scband reference (transcript-rebuilt; emitter-appended) ---
"""Pipeline reference for scband-rejection-sampler-41085657153741 (READ-ONLY COPY).

The authoritative reference and input builder live on the scoring server;
editing this copy changes nothing except your own understanding.
"""

import jax, jax.numpy as jnp
import numpy as np


def _forward(target_probs, draft_probs, bonus_token_ids, draft_token_ids, key):
    B, K, V = draft_probs.shape
    bi = jnp.arange(B)[:, None]
    pi = jnp.arange(K)[None, :]
    # _get_accepted
    selected_draft_probs = draft_probs[bi, pi, draft_token_ids]
    selected_target_probs = target_probs[bi, pi, draft_token_ids]
    uniform_rand = jax.random.uniform(jax.random.fold_in(key, 1), (B, K), dtype=jnp.float32)
    capped_ratio = jnp.minimum(selected_target_probs / selected_draft_probs, jnp.float32(1.0))
    accepted = uniform_rand < capped_ratio
    # _get_recovered_probs: f = clamp(target - draft, min=tiny); normalize
    tiny = jnp.finfo(jnp.float32).tiny
    f = jnp.maximum(target_probs - draft_probs, tiny)
    recovered_probs = f / jnp.sum(f, axis=-1, keepdims=True)
    rp = recovered_probs.reshape(B * K, V)
    # _multinomial via exponential trick: argmax(p / Exp(1))
    q = jax.random.exponential(jax.random.fold_in(key, 2), rp.shape, dtype=jnp.float32)
    recovered_token_ids = jnp.argmax(rp / q, axis=1).reshape(B, K).astype(draft_token_ids.dtype)
    # _create_output
    not_acc = ~accepted
    has_false = jnp.any(not_acc, axis=1)
    first_false = jnp.argmax(not_acc, axis=1)
    limits = jnp.where(has_false, first_false, K)
    idx = jnp.arange(K)[None, :]
    accepted_mask = idx < limits[:, None]
    after_false_mask = idx == limits[:, None]
    output = jnp.where(accepted_mask, draft_token_ids, jnp.array(-1, dtype=draft_token_ids.dtype))
    bonus = jnp.where(output[:, -1] != -1, bonus_token_ids[:, 0], -1)
    # disable_bonus_tokens=True -> bonus slot forced to -1
    bonus = jnp.full_like(bonus, -1)
    output = output * (~after_false_mask) + recovered_token_ids * after_false_mask
    return jnp.concatenate([output, bonus[:, None]], axis=1)


def setup_inputs(seed: int = 0) -> dict:
    key = jax.random.key(seed)
    k1, k2, k3, k4 = jax.random.split(key, 4)
    B, K, V = 32, 8, 100000
    target_probs = jax.random.uniform(k1, (B, K, V), dtype=jnp.float32)
    draft_probs = jax.random.uniform(k2, (B, K, V), dtype=jnp.float32)
    bonus_token_ids = jax.random.randint(k3, (B, 1), 0, V, dtype=jnp.int32)
    draft_token_ids = jax.random.randint(k4, (B, K), 0, V, dtype=jnp.int32)
    return {
        "target_probs": target_probs,
        "bonus_token_ids": bonus_token_ids,
        "draft_probs": draft_probs,
        "draft_token_ids": draft_token_ids,
    }


def reference(target_probs, bonus_token_ids, draft_probs, draft_token_ids):
    key = jax.random.key(42)
    return _forward(target_probs, draft_probs, bonus_token_ids, draft_token_ids, key)

if __name__ == "__main__":
    import jax
    _d = setup_inputs()
    print(jax.jit(kernel)(*tuple(_d.values())))

</pallas_src>

<mosaic_0001>
module attributes {stable_mosaic.version = 14 : i64} {
  func.func @_lambda_(%arg0: i32, %arg1: memref<32x8x4096xf32, #tpu.memory_space<vmem>>, %arg2: memref<32x8x4096xf32, #tpu.memory_space<vmem>>, %arg3: memref<1x32x8x4096xf32, #tpu.memory_space<vmem>>, %arg4: memref<32x8x1xi32, #tpu.memory_space<vmem>>, %arg5: memref<32x8x1xf32, #tpu.memory_space<vmem>>, %arg6: memref<32x9x1xi32, #tpu.memory_space<vmem>>, %arg7: memref<32x8x1xf32, #tpu.memory_space<vmem>>, %arg8: memref<32x8x1xf32, #tpu.memory_space<vmem>>, %arg9: memref<32x8x1xf32, #tpu.memory_space<vmem>>, %arg10: memref<32x8x1xi32, #tpu.memory_space<vmem>>) attributes {dimension_semantics = [#tpu.dimension_semantics<arbitrary>], iteration_bounds = array<i64: 25>, scalar_prefetch = 0 : i64, scratch_operands = 4 : i64, tpu.core_type = #tpu.core_type<tc>, window_params = [{transform_indices = @transform_0, window_bounds = array<i64: 32, 8, 4096>}, {transform_indices = @transform_1, window_bounds = array<i64: 32, 8, 4096>}, {transform_indices = @transform_2, window_bounds = array<i64: 1, 32, 8, 4096>}, {pipeline_mode = #tpu.pipeline_mode<synchronous>, transform_indices = @transform_3, window_bounds = array<i64: 32, 8, 1>}, {pipeline_mode = #tpu.pipeline_mode<synchronous>, transform_indices = @transform_4, window_bounds = array<i64: 32, 8, 1>}, {pipeline_mode = #tpu.pipeline_mode<synchronous>, transform_indices = @transform_5, window_bounds = array<i64: 32, 9, 1>}]} {
    %eq3A = arith.constant 0 : i32
    %eq3A_0 = arith.cmpi eq, %arg0, %eq3A : i32
    %convert_element_type3A = arith.extui %eq3A_0 : i1 to i32
    %cond3A = arith.constant 0 : i32
    %cond3A_1 = arith.cmpi ne, %convert_element_type3A, %cond3A : i32
    scf.if %cond3A_1 {
      %broadcast_in_dim3A = arith.constant 0.000000e+00 : f32
      %broadcast_in_dim3A_11 = vector.broadcast %broadcast_in_dim3A : f32 to vector<32x8x1xf32>
      %swap3A = arith.constant 0 : index
      %swap3A_12 = arith.constant 0 : index
      %swap3A_13 = arith.constant 0 : index
      %swap3A_14 = vector.load %arg7[%swap3A, %swap3A_12, %swap3A_13] : memref<32x8x1xf32, #tpu.memory_space<vmem>>, vector<32x8x1xf32>
      tpu.vector_store %arg7[%swap3A, %swap3A_12, %swap3A_13], %broadcast_in_dim3A_11 {strides = array<i32>} : memref<32x8x1xf32, #tpu.memory_space<vmem>>, vector<32x8x1xf32>,
      %broadcast_in_dim3A_15 = arith.constant 0.000000e+00 : f32
      %broadcast_in_dim3A_16 = vector.broadcast %broadcast_in_dim3A_15 : f32 to vector<32x8x1xf32>
      %swap3A_17 = arith.constant 0 : index
      %swap3A_18 = arith.constant 0 : index
      %swap3A_19 = arith.constant 0 : index
      %swap3A_20 = vector.load %arg8[%swap3A_17, %swap3A_18, %swap3A_19] : memref<32x8x1xf32, #tpu.memory_space<vmem>>, vector<32x8x1xf32>
      tpu.vector_store %arg8[%swap3A_17, %swap3A_18, %swap3A_19], %broadcast_in_dim3A_16 {strides = array<i32>} : memref<32x8x1xf32, #tpu.memory_space<vmem>>, vector<32x8x1xf32>,
      %broadcast_in_dim3A_21 = arith.constant 0xFF800000 : f32
      %broadcast_in_dim3A_22 = vector.broadcast %broadcast_in_dim3A_21 : f32 to vector<32x8x1xf32>
      %swap3A_23 = arith.constant 0 : index
      %swap3A_24 = arith.constant 0 : index
      %swap3A_25 = arith.constant 0 : index
      %swap3A_26 = vector.load %arg9[%swap3A_23, %swap3A_24, %swap3A_25] : memref<32x8x1xf32, #tpu.memory_space<vmem>>, vector<32x8x1xf32>
      tpu.vector_store %arg9[%swap3A_23, %swap3A_24, %swap3A_25], %broadcast_in_dim3A_22 {strides = array<i32>} : memref<32x8x1xf32, #tpu.memory_space<vmem>>, vector<32x8x1xf32>,
      %broadcast_in_dim3A_27 = arith.constant 0 : i32
      %broadcast_in_dim3A_28 = vector.broadcast %broadcast_in_dim3A_27 : i32 to vector<32x8x1xi32>
      %swap3A_29 = arith.constant 0 : index
      %swap3A_30 = arith.constant 0 : index
      %swap3A_31 = arith.constant 0 : index
      %swap3A_32 = vector.load %arg10[%swap3A_29, %swap3A_30, %swap3A_31] : memref<32x8x1xi32, #tpu.memory_space<vmem>>, vector<32x8x1xi32>
      tpu.vector_store %arg10[%swap3A_29, %swap3A_30, %swap3A_31], %broadcast_in_dim3A_28 {strides = array<i32>} : memref<32x8x1xi32, #tpu.memory_space<vmem>>, vector<32x8x1xi32>,
    } else {
    }
    %lt3A = arith.constant 24 : i32
    %lt3A_2 = arith.cmpi slt, %arg0, %lt3A : i32
    %convert_element_type3A_3 = arith.extui %lt3A_2 : i1 to i32
    %cond3A_4 = arith.constant 0 : i32
    %cond3A_5 = arith.cmpi ne, %convert_element_type3A_3, %cond3A_4 : i32
    scf.if %cond3A_5 {
      %get3A = arith.constant 0 : index
      %get3A_11 = arith.constant 0 : index
      %get3A_12 = arith.constant 0 : index
      %get3A_13 = vector.load %arg1[%get3A, %get3A_11, %get3A_12] : memref<32x8x4096xf32, #tpu.memory_space<vmem>>, vector<32x8x4096xf32>
      %get3A_14 = arith.constant 0 : index
      %get3A_15 = arith.constant 0 : index
      %get3A_16 = arith.constant 0 : index
      %get3A_17 = vector.load %arg2[%get3A_14, %get3A_15, %get3A_16] : memref<32x8x4096xf32, #tpu.memory_space<vmem>>, vector<32x8x4096xf32>
      %get3A_18 = arith.constant 0 : index
      %get3A_19 = arith.constant 0 : index
      %get3A_20 = arith.constant 0 : index
      %get3A_21 = arith.constant 0 : index
      %get3A_22 = vector.load %arg3[%get3A_18, %get3A_19, %get3A_20, %get3A_21] : memref<1x32x8x4096xf32, #tpu.memory_space<vmem>>, vector<1x32x8x4096xf32>
      %get3A_23 = vector.shape_cast %get3A_22 : vector<1x32x8x4096xf32> to vector<32x8x4096xf32>
      %iota3A = tpu.iota {dimensions = array<i32: 2>} : vector<32x8x4096xi32>
      %mul3A = arith.constant 4096 : i32
      %mul3A_24 = arith.muli %arg0, %mul3A : i32
      %add3A = vector.broadcast %mul3A_24 : i32 to vector<32x8x4096xi32>
      %add3A_25 = arith.addi %iota3A, %add3A : vector<32x8x4096xi32>
      %sub3A = arith.subf %get3A_13, %get3A_17 : vector<32x8x4096xf32>
      %max3A = arith.constant 1.17549435E-38 : f32
      %max3A_26 = vector.broadcast %max3A : f32 to vector<32x8x4096xf32>
      %max3A_27 = arith.maximumf %sub3A, %max3A_26 : vector<32x8x4096xf32>
      %mul3A_28 = arith.mulf %max3A_27, %get3A_23 : vector<32x8x4096xf32>
      %reduce_max3A = arith.constant dense<0xFF800000> : vector<32x8xf32>
      %reduce_max3A_29 = vector.multi_reduction <maximumf>, %mul3A_28, %reduce_max3A [2] : vector<32x8x4096xf32> to vector<32x8xf32>
      %broadcast_in_dim3A = vector.shape_cast %reduce_max3A_29 : vector<32x8xf32> to vector<32x8x1xf32>
      %argmax3A = tpu.reduce_index %mul3A_28 {axis = 2 : i32, kind = #tpu.reduction_kind<arg_max>} : vector<32x8x4096xf32> -> vector<32x8xi32>
      %broadcast_in_dim3A_30 = vector.shape_cast %argmax3A : vector<32x8xi32> to vector<32x8x1xi32>
      %get3A_31 = arith.constant 0 : index
      %get3A_32 = arith.constant 0 : index
      %get3A_33 = arith.constant 0 : index
      %get3A_34 = vector.load %arg9[%get3A_31, %get3A_32, %get3A_33] : memref<32x8x1xf32, #tpu.memory_space<vmem>>, vector<32x8x1xf32>
      %gt3A = arith.cmpf ogt, %broadcast_in_dim3A, %get3A_34 : vector<32x8x1xf32>
      %get3A_35 = arith.constant 0 : index
      %get3A_36 = arith.constant 0 : index
      %get3A_37 = arith.constant 0 : index
      %get3A_38 = vector.load %arg9[%get3A_35, %get3A_36, %get3A_37] : memref<32x8x1xf32, #tpu.memory_space<vmem>>, vector<32x8x1xf32>
      %select_n3A = arith.select %gt3A, %broadcast_in_dim3A, %get3A_38 : vector<32x8x1xi1>, vector<32x8x1xf32>
      %swap3A = arith.constant 0 : index
      %swap3A_39 = arith.constant 0 : index
      %swap3A_40 = arith.constant 0 : index
      %swap3A_41 = vector.load %arg9[%swap3A, %swap3A_39, %swap3A_40] : memref<32x8x1xf32, #tpu.memory_space<vmem>>, vector<32x8x1xf32>
      tpu.vector_store %arg9[%swap3A, %swap3A_39, %swap3A_40], %select_n3A {strides = array<i32>} : memref<32x8x1xf32, #tpu.memory_space<vmem>>, vector<32x8x1xf32>,
      %mul3A_42 = arith.constant 4096 : i32
      %mul3A_43 = arith.muli %arg0, %mul3A_42 : i32
      %add3A_44 = vector.broadcast %mul3A_43 : i32 to vector<32x8x1xi32>
      %add3A_45 = arith.addi %broadcast_in_dim3A_30, %add3A_44 : vector<32x8x1xi32>
      %get3A_46 = arith.constant 0 : index
      %get3A_47 = arith.constant 0 : index
      %get3A_48 = arith.constant 0 : index
      %get3A_49 = vector.load %arg10[%get3A_46, %get3A_47, %get3A_48] : memref<32x8x1xi32, #tpu.memory_space<vmem>>, vector<32x8x1xi32>
      %select_n3A_50 = arith.select %gt3A, %add3A_45, %get3A_49 : vector<32x8x1xi1>, vector<32x8x1xi32>
      %swap3A_51 = arith.constant 0 : index
      %swap3A_52 = arith.constant 0 : index
      %swap3A_53 = arith.constant 0 : index
      %swap3A_54 = vector.load %arg10[%swap3A_51, %swap3A_52, %swap3A_53] : memref<32x8x1xi32, #tpu.memory_space<vmem>>, vector<32x8x1xi32>
      tpu.vector_store %arg10[%swap3A_51, %swap3A_52, %swap3A_53], %select_n3A_50 {strides = array<i32>} : memref<32x8x1xi32, #tpu.memory_space<vmem>>, vector<32x8x1xi32>,
      %get3A_55 = arith.constant 0 : index
      %get3A_56 = arith.constant 0 : index
      %get3A_57 = arith.constant 0 : index
      %get3A_58 = vector.load %arg4[%get3A_55, %get3A_56, %get3A_57] : memref<32x8x1xi32, #tpu.memory_space<vmem>>, vector<32x8x1xi32>
      %eq3A_59 = vector.broadcast %get3A_58 : vector<32x8x1xi32> to vector<32x8x4096xi32>
      %eq3A_60 = arith.cmpi eq, %add3A_25, %eq3A_59 : vector<32x8x4096xi32>
      %get3A_61 = arith.constant 0 : index
      %get3A_62 = arith.constant 0 : index
      %get3A_63 = arith.constant 0 : index
      %get3A_64 = vector.load %arg7[%get3A_61, %get3A_62, %get3A_63] : memref<32x8x1xf32, #tpu.memory_space<vmem>>, vector<32x8x1xf32>
      %jit3A = arith.constant 0.000000e+00 : f32
      %broadcast_in_dim3A_65 = vector.broadcast %jit3A : f32 to vector<32x8x4096xf32>
      %select_n3A_66 = arith.select %eq3A_60, %get3A_13, %broadcast_in_dim3A_65 : vector<32x8x4096xi1>, vector<32x8x4096xf32>
      %reduce_sum3A = arith.constant dense<0.000000e+00> : vector<32x8xf32>
      %reduce_sum3A_67 = vector.multi_reduction <add>, %select_n3A_66, %reduce_sum3A [2] : vector<32x8x4096xf32> to vector<32x8xf32>
      %broadcast_in_dim3A_68 = vector.shape_cast %reduce_sum3A_67 : vector<32x8xf32> to vector<32x8x1xf32>
      %add3A_69 = arith.addf %get3A_64, %broadcast_in_dim3A_68 : vector<32x8x1xf32>
      %swap3A_70 = arith.constant 0 : index
      %swap3A_71 = arith.constant 0 : index
      %swap3A_72 = arith.constant 0 : index
      %swap3A_73 = vector.load %arg7[%swap3A_70, %swap3A_71, %swap3A_72] : memref<32x8x1xf32, #tpu.memory_space<vmem>>, vector<32x8x1xf32>
      tpu.vector_store %arg7[%swap3A_70, %swap3A_71, %swap3A_72], %add3A_69 {strides = array<i32>} : memref<32x8x1xf32, #tpu.memory_space<vmem>>, vector<32x8x1xf32>,
      %get3A_74 = arith.constant 0 : index
      %get3A_75 = arith.constant 0 : index
      %get3A_76 = arith.constant 0 : index
      %get3A_77 = vector.load %arg8[%get3A_74, %get3A_75, %get3A_76] : memref<32x8x1xf32, #tpu.memory_space<vmem>>, vector<32x8x1xf32>
      %jit3A_78 = arith.constant 0.000000e+00 : f32
      %broadcast_in_dim3A_79 = vector.broadcast %jit3A_78 : f32 to vector<32x8x4096xf32>
      %select_n3A_80 = arith.select %eq3A_60, %get3A_17, %broadcast_in_dim3A_79 : vector<32x8x4096xi1>, vector<32x8x4096xf32>
      %reduce_sum3A_81 = arith.constant dense<0.000000e+00> : vector<32x8xf32>
      %reduce_sum3A_82 = vector.multi_reduction <add>, %select_n3A_80, %reduce_sum3A_81 [2] : vector<32x8x4096xf32> to vector<32x8xf32>
      %broadcast_in_dim3A_83 = vector.shape_cast %reduce_sum3A_82 : vector<32x8xf32> to vector<32x8x1xf32>
      %add3A_84 = arith.addf %get3A_77, %broadcast_in_dim3A_83 : vector<32x8x1xf32>
      %swap3A_85 = arith.constant 0 : index
      %swap3A_86 = arith.constant 0 : index
      %swap3A_87 = arith.constant 0 : index
      %swap3A_88 = vector.load %arg8[%swap3A_85, %swap3A_86, %swap3A_87] : memref<32x8x1xf32, #tpu.memory_space<vmem>>, vector<32x8x1xf32>
      tpu.vector_store %arg8[%swap3A_85, %swap3A_86, %swap3A_87], %add3A_84 {strides = array<i32>} : memref<32x8x1xf32, #tpu.memory_space<vmem>>, vector<32x8x1xf32>,
    } else {
    }
    %eq3A_6 = arith.constant 24 : i32
    %eq3A_7 = arith.cmpi eq, %arg0, %eq3A_6 : i32
    %convert_element_type3A_8 = arith.extui %eq3A_7 : i1 to i32
    %cond3A_9 = arith.constant 0 : i32
    %cond3A_10 = arith.cmpi ne, %convert_element_type3A_8, %cond3A_9 : i32
    scf.if %cond3A_10 {
      %get3A = arith.constant 0 : index
      %get3A_11 = arith.constant 0 : index
      %get3A_12 = arith.constant 0 : index
      %get3A_13 = vector.load %arg1[%get3A, %get3A_11, %get3A_12] : memref<32x8x4096xf32, #tpu.memory_space<vmem>>, vector<32x8x4096xf32>
      %get3A_14 = arith.constant 0 : index
      %get3A_15 = arith.constant 0 : index
      %get3A_16 = arith.constant 0 : index
      %get3A_17 = vector.load %arg2[%get3A_14, %get3A_15, %get3A_16] : memref<32x8x4096xf32, #tpu.memory_space<vmem>>, vector<32x8x4096xf32>
      %get3A_18 = arith.constant 0 : index
      %get3A_19 = arith.constant 0 : index
      %get3A_20 = arith.constant 0 : index
      %get3A_21 = arith.constant 0 : index
      %get3A_22 = vector.load %arg3[%get3A_18, %get3A_19, %get3A_20, %get3A_21] : memref<1x32x8x4096xf32, #tpu.memory_space<vmem>>, vector<1x32x8x4096xf32>
      %get3A_23 = vector.shape_cast %get3A_22 : vector<1x32x8x4096xf32> to vector<32x8x4096xf32>
      %iota3A = tpu.iota {dimensions = array<i32: 2>} : vector<32x8x4096xi32>
      %mul3A = arith.constant 4096 : i32
      %mul3A_24 = arith.muli %arg0, %mul3A : i32
      %add3A = vector.broadcast %mul3A_24 : i32 to vector<32x8x4096xi32>
      %add3A_25 = arith.addi %iota3A, %add3A : vector<32x8x4096xi32>
      %sub3A = arith.subf %get3A_13, %get3A_17 : vector<32x8x4096xf32>
      %max3A = arith.constant 1.17549435E-38 : f32
      %max3A_26 = vector.broadcast %max3A : f32 to vector<32x8x4096xf32>
      %max3A_27 = arith.maximumf %sub3A, %max3A_26 : vector<32x8x4096xf32>
      %mul3A_28 = arith.mulf %max3A_27, %get3A_23 : vector<32x8x4096xf32>
      %lt3A_29 = arith.constant 100000 : i32
      %lt3A_30 = vector.broadcast %lt3A_29 : i32 to vector<32x8x4096xi32>
      %lt3A_31 = arith.cmpi slt, %add3A_25, %lt3A_30 : vector<32x8x4096xi32>
      %jit3A = arith.constant 0xFF800000 : f32
      %broadcast_in_dim3A = vector.broadcast %jit3A : f32 to vector<32x8x4096xf32>
      %select_n3A = arith.select %lt3A_31, %mul3A_28, %broadcast_in_dim3A : vector<32x8x4096xi1>, vector<32x8x4096xf32>
      %reduce_max3A = arith.constant dense<0xFF800000> : vector<32x8xf32>
      %reduce_max3A_32 = vector.multi_reduction <maximumf>, %select_n3A, %reduce_max3A [2] : vector<32x8x4096xf32> to vector<32x8xf32>
      %broadcast_in_dim3A_33 = vector.shape_cast %reduce_max3A_32 : vector<32x8xf32> to vector<32x8x1xf32>
      %argmax3A = tpu.reduce_index %select_n3A {axis = 2 : i32, kind = #tpu.reduction_kind<arg_max>} : vector<32x8x4096xf32> -> vector<32x8xi32>
      %broadcast_in_dim3A_34 = vector.shape_cast %argmax3A : vector<32x8xi32> to vector<32x8x1xi32>
      %get3A_35 = arith.constant 0 : index
      %get3A_36 = arith.constant 0 : index
      %get3A_37 = arith.constant 0 : index
      %get3A_38 = vector.load %arg9[%get3A_35, %get3A_36, %get3A_37] : memref<32x8x1xf32, #tpu.memory_space<vmem>>, vector<32x8x1xf32>
      %gt3A = arith.cmpf ogt, %broadcast_in_dim3A_33, %get3A_38 : vector<32x8x1xf32>
      %get3A_39 = arith.constant 0 : index
      %get3A_40 = arith.constant 0 : index
      %get3A_41 = arith.constant 0 : index
      %get3A_42 = vector.load %arg9[%get3A_39, %get3A_40, %get3A_41] : memref<32x8x1xf32, #tpu.memory_space<vmem>>, vector<32x8x1xf32>
      %select_n3A_43 = arith.select %gt3A, %broadcast_in_dim3A_33, %get3A_42 : vector<32x8x1xi1>, vector<32x8x1xf32>
      %swap3A = arith.constant 0 : index
      %swap3A_44 = arith.constant 0 : index
      %swap3A_45 = arith.constant 0 : index
      %swap3A_46 = vector.load %arg9[%swap3A, %swap3A_44, %swap3A_45] : memref<32x8x1xf32, #tpu.memory_space<vmem>>, vector<32x8x1xf32>
      tpu.vector_store %arg9[%swap3A, %swap3A_44, %swap3A_45], %select_n3A_43 {strides = array<i32>} : memref<32x8x1xf32, #tpu.memory_space<vmem>>, vector<32x8x1xf32>,
      %mul3A_47 = arith.constant 4096 : i32
      %mul3A_48 = arith.muli %arg0, %mul3A_47 : i32
      %add3A_49 = vector.broadcast %mul3A_48 : i32 to vector<32x8x1xi32>
      %add3A_50 = arith.addi %broadcast_in_dim3A_34, %add3A_49 : vector<32x8x1xi32>
      %get3A_51 = arith.constant 0 : index
      %get3A_52 = arith.constant 0 : index
      %get3A_53 = arith.constant 0 : index
      %get3A_54 = vector.load %arg10[%get3A_51, %get3A_52, %get3A_53] : memref<32x8x1xi32, #tpu.memory_space<vmem>>, vector<32x8x1xi32>
      %select_n3A_55 = arith.select %gt3A, %add3A_50, %get3A_54 : vector<32x8x1xi1>, vector<32x8x1xi32>
      %swap3A_56 = arith.constant 0 : index
      %swap3A_57 = arith.constant 0 : index
      %swap3A_58 = arith.constant 0 : index
      %swap3A_59 = vector.load %arg10[%swap3A_56, %swap3A_57, %swap3A_58] : memref<32x8x1xi32, #tpu.memory_space<vmem>>, vector<32x8x1xi32>
      tpu.vector_store %arg10[%swap3A_56, %swap3A_57, %swap3A_58], %select_n3A_55 {strides = array<i32>} : memref<32x8x1xi32, #tpu.memory_space<vmem>>, vector<32x8x1xi32>,
      %get3A_60 = arith.constant 0 : index
      %get3A_61 = arith.constant 0 : index
      %get3A_62 = arith.constant 0 : index
      %get3A_63 = vector.load %arg4[%get3A_60, %get3A_61, %get3A_62] : memref<32x8x1xi32, #tpu.memory_space<vmem>>, vector<32x8x1xi32>
      %eq3A_64 = vector.broadcast %get3A_63 : vector<32x8x1xi32> to vector<32x8x4096xi32>
      %eq3A_65 = arith.cmpi eq, %add3A_25, %eq3A_64 : vector<32x8x4096xi32>
      %get3A_66 = arith.constant 0 : index
      %get3A_67 = arith.constant 0 : index
      %get3A_68 = arith.constant 0 : index
      %get3A_69 = vector.load %arg7[%get3A_66, %get3A_67, %get3A_68] : memref<32x8x1xf32, #tpu.memory_space<vmem>>, vector<32x8x1xf32>
      %jit3A_70 = arith.constant 0.000000e+00 : f32
      %broadcast_in_dim3A_71 = vector.broadcast %jit3A_70 : f32 to vector<32x8x4096xf32>
      %select_n3A_72 = arith.select %eq3A_65, %get3A_13, %broadcast_in_dim3A_71 : vector<32x8x4096xi1>, vector<32x8x4096xf32>
      %reduce_sum3A = arith.constant dense<0.000000e+00> : vector<32x8xf32>
      %reduce_sum3A_73 = vector.multi_reduction <add>, %select_n3A_72, %reduce_sum3A [2] : vector<32x8x4096xf32> to vector<32x8xf32>
      %broadcast_in_dim3A_74 = vector.shape_cast %reduce_sum3A_73 : vector<32x8xf32> to vector<32x8x1xf32>
      %add3A_75 = arith.addf %get3A_69, %broadcast_in_dim3A_74 : vector<32x8x1xf32>
      %swap3A_76 = arith.constant 0 : index
      %swap3A_77 = arith.constant 0 : index
      %swap3A_78 = arith.constant 0 : index
      %swap3A_79 = vector.load %arg7[%swap3A_76, %swap3A_77, %swap3A_78] : memref<32x8x1xf32, #tpu.memory_space<vmem>>, vector<32x8x1xf32>
      tpu.vector_store %arg7[%swap3A_76, %swap3A_77, %swap3A_78], %add3A_75 {strides = array<i32>} : memref<32x8x1xf32, #tpu.memory_space<vmem>>, vector<32x8x1xf32>,
      %get3A_80 = arith.constant 0 : index
      %get3A_81 = arith.constant 0 : index
      %get3A_82 = arith.constant 0 : index
      %get3A_83 = vector.load %arg8[%get3A_80, %get3A_81, %get3A_82] : memref<32x8x1xf32, #tpu.memory_space<vmem>>, vector<32x8x1xf32>
      %jit3A_84 = arith.constant 0.000000e+00 : f32
      %broadcast_in_dim3A_85 = vector.broadcast %jit3A_84 : f32 to vector<32x8x4096xf32>
      %select_n3A_86 = arith.select %eq3A_65, %get3A_17, %broadcast_in_dim3A_85 : vector<32x8x4096xi1>, vector<32x8x4096xf32>
      %reduce_sum3A_87 = arith.constant dense<0.000000e+00> : vector<32x8xf32>
      %reduce_sum3A_88 = vector.multi_reduction <add>, %select_n3A_86, %reduce_sum3A_87 [2] : vector<32x8x4096xf32> to vector<32x8xf32>
      %broadcast_in_dim3A_89 = vector.shape_cast %reduce_sum3A_88 : vector<32x8xf32> to vector<32x8x1xf32>
      %add3A_90 = arith.addf %get3A_83, %broadcast_in_dim3A_89 : vector<32x8x1xf32>
      %swap3A_91 = arith.constant 0 : index
      %swap3A_92 = arith.constant 0 : index
      %swap3A_93 = arith.constant 0 : index
      %swap3A_94 = vector.load %arg8[%swap3A_91, %swap3A_92, %swap3A_93] : memref<32x8x1xf32, #tpu.memory_space<vmem>>, vector<32x8x1xf32>
      tpu.vector_store %arg8[%swap3A_91, %swap3A_92, %swap3A_93], %add3A_90 {strides = array<i32>} : memref<32x8x1xf32, #tpu.memory_space<vmem>>, vector<32x8x1xf32>,
      %get3A_95 = arith.constant 0 : index
      %get3A_96 = arith.constant 0 : index
      %get3A_97 = arith.constant 0 : index
      %get3A_98 = vector.load %arg7[%get3A_95, %get3A_96, %get3A_97] : memref<32x8x1xf32, #tpu.memory_space<vmem>>, vector<32x8x1xf32>
      %get3A_99 = arith.constant 0 : index
      %get3A_100 = arith.constant 0 : index
      %get3A_101 = arith.constant 0 : index
      %get3A_102 = vector.load %arg8[%get3A_99, %get3A_100, %get3A_101] : memref<32x8x1xf32, #tpu.memory_space<vmem>>, vector<32x8x1xf32>
      %get3A_103 = arith.constant 0 : index
      %get3A_104 = arith.constant 0 : index
      %get3A_105 = arith.constant 0 : index
      %get3A_106 = vector.load %arg5[%get3A_103, %get3A_104, %get3A_105] : memref<32x8x1xf32, #tpu.memory_space<vmem>>, vector<32x8x1xf32>
      %div3A = arith.divf %get3A_98, %get3A_102 : vector<32x8x1xf32>
      %min3A = arith.constant 1.000000e+00 : f32
      %min3A_107 = vector.broadcast %min3A : f32 to vector<32x8x1xf32>
      %min3A_108 = arith.minimumf %div3A, %min3A_107 : vector<32x8x1xf32>
      %lt3A_109 = arith.cmpf olt, %get3A_106, %min3A_108 : vector<32x8x1xf32>
      %iota3A_110 = tpu.iota {dimensions = array<i32: 1>} : vector<32x8x1xi32>
      %not3A = arith.constant dense<true> : vector<32x8x1xi1>
      %not3A_111 = arith.xori %lt3A_109, %not3A : vector<32x8x1xi1>
      %jit3A_112 = arith.constant 8 : i32
      %broadcast_in_dim3A_113 = vector.broadcast %jit3A_112 : i32 to vector<32x8x1xi32>
      %select_n3A_114 = arith.select %not3A_111, %iota3A_110, %broadcast_in_dim3A_113 : vector<32x8x1xi1>, vector<32x8x1xi32>
      %reduce_min3A = arith.constant dense<2147483647> : vector<32x1xi32>
      %reduce_min3A_115 = vector.multi_reduction <minsi>, %select_n3A_114, %reduce_min3A [1] : vector<32x8x1xi32> to vector<32x1xi32>
      %broadcast_in_dim3A_116 = vector.shape_cast %reduce_min3A_115 : vector<32x1xi32> to vector<32x1x1xi32>
      %lt3A_117 = vector.broadcast %broadcast_in_dim3A_116 : vector<32x1x1xi32> to vector<32x8x1xi32>
      %lt3A_118 = arith.cmpi slt, %iota3A_110, %lt3A_117 : vector<32x8x1xi32>
      %get3A_119 = arith.constant 0 : index
      %get3A_120 = arith.constant 0 : index
      %get3A_121 = arith.constant 0 : index
      %get3A_122 = vector.load %arg4[%get3A_119, %get3A_120, %get3A_121] : memref<32x8x1xi32, #tpu.memory_space<vmem>>, vector<32x8x1xi32>
      %jit3A_123 = arith.constant -1 : i32
      %broadcast_in_dim3A_124 = vector.broadcast %jit3A_123 : i32 to vector<32x8x1xi32>
      %select_n3A_125 = arith.select %lt3A_118, %get3A_122, %broadcast_in_dim3A_124 : vector<32x8x1xi1>, vector<32x8x1xi32>
      %eq3A_126 = vector.broadcast %broadcast_in_dim3A_116 : vector<32x1x1xi32> to vector<32x8x1xi32>
      %eq3A_127 = arith.cmpi eq, %iota3A_110, %eq3A_126 : vector<32x8x1xi32>
      %get3A_128 = arith.constant 0 : index
      %get3A_129 = arith.constant 0 : index
      %get3A_130 = arith.constant 0 : index
      %get3A_131 = vector.load %arg10[%get3A_128, %get3A_129, %get3A_130] : memref<32x8x1xi32, #tpu.memory_space<vmem>>, vector<32x8x1xi32>
      %select_n3A_132 = arith.select %eq3A_127, %get3A_131, %select_n3A_125 : vector<32x8x1xi1>, vector<32x8x1xi32>
      %swap3A_133 = arith.constant 0 : index
      %swap3A_134 = arith.constant 0 : index
      %swap3A_135 = arith.constant 0 : index
      %swap3A_136 = vector.load %arg6[%swap3A_133, %swap3A_134, %swap3A_135] : memref<32x9x1xi32, #tpu.memory_space<vmem>>, vector<32x8x1xi32>
      tpu.vector_store %arg6[%swap3A_133, %swap3A_134, %swap3A_135], %select_n3A_132 {strides = array<i32>} : memref<32x9x1xi32, #tpu.memory_space<vmem>>, vector<32x8x1xi32>,
      %broadcast_in_dim3A_137 = arith.constant -1 : i32
      %broadcast_in_dim3A_138 = vector.broadcast %broadcast_in_dim3A_137 : i32 to vector<32x1x1xi32>
      %swap3A_139 = arith.constant 0 : index
      %swap3A_140 = arith.constant 8 : index
      %swap3A_141 = arith.constant 0 : index
      %swap3A_142 = vector.load %arg6[%swap3A_139, %swap3A_140, %swap3A_141] : memref<32x9x1xi32, #tpu.memory_space<vmem>>, vector<32x1x1xi32>
      tpu.vector_store %arg6[%swap3A_139, %swap3A_140, %swap3A_141], %broadcast_in_dim3A_138 {strides = array<i32>} : memref<32x9x1xi32, #tpu.memory_space<vmem>>, vector<32x1x1xi32>,
    } else {
    }
    return
  }
  func.func @transform_0(%arg0: i32) -> (i32, i32, i32) {
    %c0_i32 = arith.constant 0 : i32
    %c0_i32_0 = arith.constant 0 : i32
    %c0_i32_1 = arith.constant 0 : i32
    return %c0_i32, %c0_i32_0, %arg0 : i32, i32, i32
  }
  func.func @transform_1(%arg0: i32) -> (i32, i32, i32) {
    %c0_i32 = arith.constant 0 : i32
    %c0_i32_0 = arith.constant 0 : i32
    %c0_i32_1 = arith.constant 0 : i32
    return %c0_i32, %c0_i32_0, %arg0 : i32, i32, i32
  }
  func.func @transform_2(%arg0: i32) -> (i32, i32, i32, i32) {
    %c0_i32 = arith.constant 0 : i32
    %c0_i32_0 = arith.constant 0 : i32
    %c0_i32_1 = arith.constant 0 : i32
    %c0_i32_2 = arith.constant 0 : i32
    return %arg0, %c0_i32, %c0_i32_0, %c0_i32_1 : i32, i32, i32, i32
  }
  func.func @transform_3(%arg0: i32) -> (i32, i32, i32) {
    %c0_i32 = arith.constant 0 : i32
    %c0_i32_0 = arith.constant 0 : i32
    %c0_i32_1 = arith.constant 0 : i32
    %c0_i32_2 = arith.constant 0 : i32
    return %c0_i32, %c0_i32_0, %c0_i32_1 : i32, i32, i32
  }
  func.func @transform_4(%arg0: i32) -> (i32, i32, i32) {
    %c0_i32 = arith.constant 0 : i32
    %c0_i32_0 = arith.constant 0 : i32
    %c0_i32_1 = arith.constant 0 : i32
    %c0_i32_2 = arith.constant 0 : i32
    return %c0_i32, %c0_i32_0, %c0_i32_1 : i32, i32, i32
  }
  func.func @transform_5(%arg0: i32) -> (i32, i32, i32) {
    %c0_i32 = arith.constant 0 : i32
    %c0_i32_0 = arith.constant 0 : i32
    %c0_i32_1 = arith.constant 0 : i32
    %c0_i32_2 = arith.constant 0 : i32
    return %c0_i32, %c0_i32_0, %c0_i32_1 : i32, i32, i32
  }
}

</mosaic_0001>

<sc_bundles>
// kernel: sparse-core-data-format-call.cloned.1.call-start
scs
called_computation_lowered:
.L_overlay_start_0:
0x0: {  	s1 =	sld [smem:$0x3FD9]  }
0x1: {  	s2 =	sld [smem:$0x3FFE];
	_ =	sdelay $0x1  }
0x2: {  	s3 =	srdreg.scid  }
0x3: {  	s0 =	sand.u32 $0x1, s3  }
0x4: {  	s17 =	sshll.u32 s0, $0xA;
	s1 =	sadd.s32 s2, s1  }
0x5: {  	s1 =	sadd.s32 s1, s17  }
0x6: {  	[smem:$0x3FC5] =	sst s1  }
0x7: {  	_ = 	snop  }
0x8: {  	(tm) =	ssettm $0x1  }
0x9: {  	s18 =	sld [smem:$0x3FFB];
	_ =	sdelay $0x3  }
0xa: {  	_ =	strace s18  }
0xb: {  	s1 =	sld [smem:$0x3FFC];
	_ =	sdelay $0x3  }
0xc: {  	_ =	strace s1  }
0xd: {  	s1 =	sld [smem:$0x3FFD];
	_ =	sdelay $0x3  }
0xe: {  	_ =	strace s1  }
0xf: {  	_ =	strace $0x8FFFFFFF  }
0x10: {  	s19 =	sld [smem:$0x3FDB];
	_ =	sdelay $0x1  }
0x11: {  	s20 =	simm.s32 $_scs_section_size  }
0x12: {  	s4 =	simm.s32 $_size__tile_overlayer_lowered;
	s5 =	simm.s32 $_tile_overlayer_lowered  }
0x13: {  	s23 =	simm.s32 $0x1BFF;
	s22 =	sshll.u32 s5, $0x1;
	s1 =	sadd.s32 s20, s19  }
0x14: {  	s6 =	simm.s32 $0x0;
	s21 =	sshll.u32 s4, $0x1;
	s4 =	sadd.s32 s22, s1  }
0x15: {  	[timem:s6], [sflag:s23] =	dma.local [hbm:s4], s21  }
0x16: {  	_ =	swait.ge [sflag:s23], s21  }
0x17: {  	s2 =	ssub.s32 $0x0, s21;
	[sflag:s23] =	ssyncset.done $0x0  }
0x18: {  	[sflag:s23] =	ssyncadd.s32 s2;
	_ =	sdelay $0x1  }
0x19: {  	s24 =	simm.s32 $0x1B8B  }
0x1a: {  	_ =	swait.ge [sflag:s24], $0x1  }
0x1b: {  	[sflag:s24] =	ssyncset.done $0x0  }
0x1c: {  	s26 =	simm.s32 $0x1B8E;
	s25 =	sld [smem:$0x3FFE];
	[sflag:s24] =	ssyncadd.s32 $0xFFFFFFFF  }
0x1d: {  	s27 =	simm.s32 $execute0_lowered;
	[smem:$0x3FD2] =	sst s26  }
0x1e: {  	s4 =	sshll.u32 s27, $0x1;
	_ =	strace $0x80000046;
	[dreg:$0x1] =	wrdreg $0xFFFFFFFF  }
0x1f: {  	s28 =	simm.s32 $_size_execute0_lowered;
	s1 =	sadd.s32 s1, s4;
	[dreg:$0x0] =	wrdreg $0x0  }
0x20: {  	s4 =	sshll.u32 s28, $0x1;
	[dreg:$0x2] =	wrdreg s1  }
0x21: {  	[dreg:$0x3] =	wrdreg s4  }
0x22: {  	[dreg:$0x4] =	wrdreg $0xC0  }
0x23: {  	_ =	task [dreg:s6], $0x5FFFF  }
0x24: {  	[dreg:$0x1] =	wrdreg $0xFFFFFFFF  }
0x25: {  	[dreg:$0x0] =	wrdreg $0x60  }
0x26: {  	[dreg:$0x2] =	wrdreg s25  }
0x27: {  	[dreg:$0x3] =	wrdreg $0x9  }
0x28: {  	_ =	task.clear_ibuf [dreg:s6], $0x4FFFF;
	_ =	strace $0x90000046  }
0x29: {  	s29 =	simm.s32 $0x9;
	_ =	strace $0x80000048  }
0x2a: {  	_ =	swait.ge [sflag:s29], $0x1  }
0x2b: {  	[sflag:s29] =	ssyncadd.s32 $0xFFFFFFFF  }
0x2c: {  	_ =	strace $0x90000048  }
0x2d: {  	_ =	sfence  }
0x2e: {  	s30 =	sld [smem:$0x0];
	_ =	sdelay $0x2  }
0x2f: {  	s31 =	sshll.u32 s3, $0xD;
	s3 =	sshrl.u32 s3, $0x2  }
0x30: {  	s2 =	sand.u32 $0x4000, s31;
	s1 =	sadd.s32 s3, s30  }
0x31: {  	s0 =	sor.u32 s2, s0;
	s1 =	sshll.u32 s1, $0x11  }
0x32: {  	s0 =	sor.u32 s1, s0  }
0x33: {  	s0 =	sadd.s32 $0x8F2B, s0  }
0x34: {  	[sflag:s0] =	ssyncadd.remote.s32 $0x1  }
0x35: {  	_ =	sfence.sel $0xFFFF  }
0x36: {  	[dreg:$0x0] =	wrdreg $0xFFFFFFFF;
	(pc) =	sbr.abs _section_cstart, $3  }
0x37: {  	[dreg:$0x1] =	wrdreg $0xFFFFFFFF  }
0x38: {  	_ =	task.clear_ibuf [dreg:s6], $0x2FFFF;
	_ =	strace $0x9FFFFFFF  }
0x39: {  	(tm) =	ssettm $0x7FFFFFFF  }
tec
execute0_lowered:
.L_overlay_start_1:
0x0: {  	(tag) =	ssettag $0x1  }
0x1: {  	s0 =	srdreg.scid  }
0x2: {  	s1 =	sshll.u32 s0, $0x4  }
0x3: {  	s0 =	stileid.u32;
	s1 =	sand.u32 $0x10, s1  }
0x4: {  	s6 =	rddreg [dreg:$0x0];
	s4 =	simm.s32 $0x1;
	s1 =	sor.u32 s0, s1  }
0x5: {  	s7 =	simm.s32 $0x2;
	s15 =	simm.s32 $0x0;
	s2 =	sshll.u32 s1, $0x7  }
0x6: {  	s8 =	simm.s32 $0x8000;
	s13 =	simm.s32 $0x0;
	s3 =	ssub.s32 $0x1000, s2  }
0x7: {  	s14 =	simm.s32 $0x0;
	s9 =	simm.s32 $0x0;
	s31 =	sand.u32 $0xF80, s3  }
0x8: {  	s11 =	simm.s32 $0x0;
	s1 =	rddreg [dreg:$0x1];
	p0 =	sne.s32 s31, $0x0  }
.Ltmp0:
0x9: {  	s5 =	sshrl.u32 s3, $0xC;
	s4 =	simm.s32 @!p0 $0x0;
	(pc) =	sbr.rel .LBB1_1-.Ltmp0, $4  }
0xa: {  	_ =	strace $0x80000047;
	s3 =	simm.s32 $0x1;
	s4 =	sadd.s32 s4, s5  }
0xb: {  	s12 =	simm.s32 $0x0;
	[sflag:s3] =	ssyncpa.u1 $0x0;
	s4 =	smul.u32 $0x32, s4  }
0xc: {  	s10 =	smov.u32 s2;
	[sflag:s7] =	ssyncpa.u1 $0x0;
	p0 =	por $0x0, $0x0  }
0xd: {  	s5 =	sadd.s32 $0x30DE00, s6;
	s6 =	sadd.s32 $0x62DE00, s6;
	s7 =	sor.u32 $0x1, s4  }
.LBB1_4:
0xe: {  	v5 =	vld [tilespmem:s18+$0xFFFFFFD0];
	[tilespmem:s19+$0x2040 ss:$0x81] =	vst.msk $0xffff, v1  }
0xf: {  	v58 =	vld [tilespmem:s18+$0xFFFFFFE0];
	[tilespmem:s19+$0x2850 ss:$0x81] =	vst.msk $0xffff, v2  }
0x10: {  	s20 =	sshra.s32 s20, $0x2;
	v59 =	vld [tilespmem:s18+$0xFFFFFFF0];
	[tilespmem:s19+$0x3060 ss:$0x81] =	vst.msk $0xffff, v3  }
0x11: {  	v60 =	vld [tilespmem:s18+$0x0];
	[tilespmem:s19+$0x0 ss:$0x81] =	vst.msk $0xffff, v0;
	s17 =	sadd.s32 s20, s17  }
0x12: {  	v61 =	vld [tilespmem:s18+$0x10];
	s26 =	sshll.u32 s15, $0xC;
	[tilespmem:s17+$0x3870 ss:$0x81] =	vst.msk $0xffff, v4  }
0x13: {  	v62 =	vld [tilespmem:s18+$0x20];
	s27 =	sand.u32 $0x78, s13;
	s21 =	sshll.u32 s13, $0x3;
	s29 =	sshll.u32 s15, $0x7;
	[tilespmem:s17+$0x810 ss:$0x81] =	vst.msk $0xffff, v5  }
0x14: {  	v63 =	vld [tilespmem:s18+$0xFFFFFFC0];
	s14 =	sshll.u32 s14, $0x11;
	s19 =	sand.u32 $0xF8000, s26;
	s28 =	sand.u32 $0xFFC00, s21;
	[tilespmem:s17+$0x1020 ss:$0x81] =	vst.msk $0xffff, v58  }
0x15: {  	s31 =	sand.u32 $0x7, s13;
	s21 =	sand.u32 $0xC00, s21;
	s18 =	sadd.s32 s28, s19;
	[tilespmem:s17+$0x1830 ss:$0x81] =	vst.msk $0xffff, v59  }
0x16: {  	s15 =	sand.u32 $0x380, s29;
	s30 =	sor.u32 s27, s21;
	s18 =	sshrl.u32 s18, $0x3;
	[tilespmem:s17+$0x2040 ss:$0x81] =	vst.msk $0xffff, v60  }
0x17: {  	s14 =	sadd.s32 s6, s14;
	s15 =	sor.u32 s15, s30;
	s18 =	sand.u32 $0x1FE00, s18;
	[tilespmem:s17+$0x2850 ss:$0x81] =	vst.msk $0xffff, v61  }
0x18: {  	s13 =	sshll.u32 s31, $0x12;
	s15 =	sshrl.u32 s15, $0x3;
	[tilespmem:s17+$0x3060 ss:$0x81] =	vst.msk $0xffff, v62;
	s14 =	sadd.s32 s18, s14  }
0x19: {  	s13 =	sor.u32 $0x400, s13;
	[tilespmem:s17+$0x0 ss:$0x81] =	vst.msk $0xffff, v63;
	s14 =	sadd.s32 s15, s14  }
0x1a: {  	[hbm4b:s14+s13] =	stream.strided.scatter [tilespmem:s16], [sflag:$0x2], $0x4000, s8, s13, $0x20;
	[tilespmem:$0x10100] =	vst v63  }
.LBB1_5:
0x1b: {  	s16 =	sadd.s32 $0x80, s9  }
0x1c: {  	s13 =	sadd.s32 $0x1000, s10;
	s17 =	smov.u32 s10;
	p2 =	sgt.s32 s16, $0xFF  }
0x1d: {  	s17 =	smov.u32 @p2 s13  }
0x1e: {  	s13 =	simm.s32 $0x1;
	p3 =	sgt.s32 s17, $0xFFF  }
0x1f: {  	s13 =	simm.s32 @!p3 $0x0  }
0x20: {  	s19 =	sadd.s32 s13, s11  }
0x21: {  	s16 =	simm.s32 @p2 $0x0;
	p2 =	sgt.s32 s19, $0x18  }
0x22: {  	p1 =	slt.u32 s12, $0x2;
	s19 =	simm.s32 @p2 $0x0;
	p2 =	sne.s32 s12, s7  }
.Ltmp1:
0x23: {  	s18 =	simm.s32 @!p1 $0x2;
	(pc) =	sbr.rel @!p2 .LBB1_6-.Ltmp1, $4  }
0x24: {  	s15 =	smov.u32 s9;
	s14 =	smov.u32 s11;
	_ =	swait.ge @!p1 [sflag:s18], $0x4000  }
0x25: {  	p0 =	por !p0, !p0;
	[sflag:s18] =	ssyncset.done @!p1 $0x0;
	s9 =	smov.u32 s16  }
0x26: {  	s17 =	smov.u32 @p3 s2;
	[sflag:s18] =	ssyncadd.s32 @!p1 $0xFFFFC000;
	s13 =	smov.u32 s10  }
0x27: {  	s10 =	smov.u32 s17;
	s12 =	sadd.s32 $0x1, s12;
	s11 =	smov.u32 s19  }
.LBB1_1:
0x28: {  	p1 =	sge.u32 s12, s4  }
0x29: {  	s31 =	sadd.s32 $0xFFFFFFFF, s12;
	s16 =	sxor.u32 @!p1 $0xFFFFFFFF, s12  }
0x2a: {  	s17 =	sshll.u32 @!p1 s10, $0x8;
	s18 =	sshll.u32 @!p1 s9, $0x3;
	s19 =	sshll.u32 @!p1 s10, $0x7  }
0x2b: {  	s20 =	sand.u32 @!p1 $0x78, s9;
	s17 =	sand.u32 @!p1 $0xFF800, s17;
	s18 =	sand.u32 @!p1 $0xFFC00, s18  }
0x2c: {  	s16 =	sshll.u32 @!p1 s16, $0xE;
	s17 =	sadd.s32 @!p1 s17, s18;
	s18 =	sand.u32 @!p1 $0x300, s19  }
0x2d: {  	s16 =	sand.u32 @!p1 $0x4000, s16;
	s17 =	sor.u32 @!p1 s18, s17;
	s18 =	sand.u32 @!p1 $0x80, s19  }
0x2e: {  	s19 =	sshll.u32 @!p1 s11, $0x11;
	s18 =	sor.u32 @!p1 s20, s18;
	s17 =	sshrl.u32 @!p1 s17, $0x3  }
0x2f: {  	s19 =	sadd.s32 @!p1 s5, s19;
	s20 =	sand.u32 @!p1 $0x7, s9;
	s18 =	sshrl.u32 @!p1 s18, $0x3  }
0x30: {  	s17 =	sand.u32 @!p1 $0x1FFE0, s17;
	s18 =	sadd.s32 @!p1 s18, s19;
	s19 =	sshll.u32 @!p1 s20, $0x12  }
0x31: {  	s17 =	sadd.s32 @!p1 s17, s18;
	s18 =	sor.u32 @!p1 $0x400, s19;
	s19 =	simm.s32 @!p1 $0x800  }
0x32: {  	[tilespmem:s16], [sflag:$0x1] =	stream.strided.gather @!p1 [hbm4b:s17+s18], $0x4000, s19, s18, $0x38;
	[tilespmem:$0x10100] =	vst v63  }
0x33: {  	p1 =	sge.u32 s31, s4  }
.Ltmp2:
0x34: {  	_ = 	snop;
	(pc) =	sbr.rel @p1 .LBB1_5-.Ltmp2, $1  }
0x35: {  	_ =	sdelay $0x3  }
0x36: {  	s16 =	simm.s32 $0x1  }
0x37: {  	_ =	swait.ge [sflag:s3], $0x4000;
	s16 =	simm.s32 @!p0 $0x0  }
0x38: {  	[sflag:s3] =	ssyncset.done $0x0;
	s17 =	sshll.u32 s16, $0xE  }
0x39: {  	[sflag:s3] =	ssyncadd.s32 $0xFFFFC000;
	s18 =	sor.u32 $0x40, s17  }
0x3a: {  	s16 =	smul.u32 $0x10200, s16;
	v0 =	vld [tilespmem:s18+$0x30]  }
0x3b: {  	v3 =	vld [tilespmem:s18+$0xFFFFFFD0]  }
0x3c: {  	s16 =	sshrl.u32 s16, $0x2;
	v4 =	vld [tilespmem:s18+$0xFFFFFFE0]  }
0x3d: {  	v5 =	vld [tilespmem:s18+$0xFFFFFFF0];
	s17 =	sor.u32 $0x8000, s16  }
0x3e: {  	s31 =	sand.u32 $0x1, s12;
	v1 =	vld [tilespmem:s18+$0x0];
	s19 =	sadd.s32 $0x0, s17  }
0x3f: {  	v2 =	vld [tilespmem:s18+$0x10];
	s16 =	smul.u32 $0x10200, s31;
	[tilespmem:s19+$0x3870 ss:$0x81] =	vst.msk $0xffff, v0  }
0x40: {  	[tilespmem:s19+$0x810 ss:$0x81] =	vst.msk $0xffff, v3;
	v3 =	vld [tilespmem:s18+$0x20]  }
0x41: {  	s16 =	sshrl.u32 s16, $0x2;
	v0 =	vld [tilespmem:s18+$0xFFFFFFC0];
	[tilespmem:s19+$0x1020 ss:$0x81] =	vst.msk $0xffff, v4;
	s18 =	sadd.s32 $0x80, s18  }
0x42: {  	s20 =	simm.s32 $0x4;
	s21 =	simm.s32 $0x8;
	s16 =	sor.u32 $0x8000, s16;
	[tilespmem:s19+$0x1830 ss:$0x81] =	vst.msk $0xffff, v5;
	v4 =	vld [tilespmem:s18+$0x30]  }
.LBB1_3:
0x43: {  	p1 =	sne.s32 s21, $0x1FC;
	v5 =	vld [tilespmem:s18+$0xFFFFFFD0];
	[tilespmem:s19+$0x2040 ss:$0x81] =	vst.msk $0xffff, v1  }
0x44: {  	v6 =	vld [tilespmem:s18+$0xFFFFFFE0];
	[tilespmem:s19+$0x2850 ss:$0x81] =	vst.msk $0xffff, v2  }
0x45: {  	s22 =	sshra.s32 s20, $0x2;
	s20 =	smov.u32 s21;
	v7 =	vld [tilespmem:s18+$0xFFFFFFF0];
	[tilespmem:s19+$0x3060 ss:$0x81] =	vst.msk $0xffff, v3  }
.Ltmp3:
0x46: {  	v1 =	vld [tilespmem:s18+$0x0];
	[tilespmem:s19+$0x0 ss:$0x81] =	vst.msk $0xffff, v0;
	s19 =	sadd.s32 s22, s17;
	(pc) =	sbr.rel @p1 .LBB1_3-.Ltmp3, $4  }
0x47: {  	v2 =	vld [tilespmem:s18+$0x10];
	[tilespmem:s19+$0x3870 ss:$0x81] =	vst.msk $0xffff, v4  }
0x48: {  	[tilespmem:s19+$0x810 ss:$0x81] =	vst.msk $0xffff, v5;
	v3 =	vld [tilespmem:s18+$0x20]  }
0x49: {  	v0 =	vld [tilespmem:s18+$0xFFFFFFC0];
	[tilespmem:s19+$0x1020 ss:$0x81] =	vst.msk $0xffff, v6;
	s18 =	sadd.s32 $0x80, s18  }
0x4a: {  	s21 =	sadd.s32 $0x4, s21;
	v4 =	vld [tilespmem:s18+$0x30];
	[tilespmem:s19+$0x1830 ss:$0x81] =	vst.msk $0xffff, v7  }
.Ltmp4:
0x4b: {  	_ = 	snop;
	(pc) =	sbr.rel .LBB1_4-.Ltmp4, $1  }
0x4c: {  	_ =	sdelay $0x3  }
.LBB1_6:
0x4d: {  	_ =	sfence.sel $0x180000  }
0x4e: {  	s2 =	simm.s32 $0x1;
	[bflag:$0x0] =	sbarrier.arrive $0xFFFF  }
0x4f: {  	s31 =	simm.s32 $0x2;
	[sflag:s2] =	ssyncpa.u1 $0x1  }
0x50: {  	[sflag:s31] =	ssyncpa.u1 $0x1  }
0x51: {  	p0 =	sne.s32 s0, $0x0;
	_ =	strace $0x90000047  }
0x52: {  	s0 =	sadd.s32 @!p0 $0x100000, s1;
	[bflag:$0x2] =	sbarrier.arrive $0xFFFF  }
0x53: {  	[sflag:s0] =	ssyncadd.tile.s32 @!p0 $0x1;
	_ =	shalt  }
.Lfunc_end1:
_tile_overlayer_lowered:
.L_overlay_start_2:
0x54: {  	(tag) =	ssettag $0x2  }
0x55: {  	s0 =	rddreg [dreg:$0x0];
	s2 =	stileid.u32  }
0x56: {  	s1 =	rddreg [dreg:$0x1];
	p0 =	sne.s32 s2, $0x0  }
0x57: {  	s3 =	rddreg [dreg:$0x2];
	[bflag:$0x3] =	sbarrier.arrive $0xFFFF;
	s2 =	simm.s32 @!p0 $0x1C01  }
0x58: {  	[timem:s3], [sflag:s2] =	dma.local @!p0 [hbm:s0], s1  }
0x59: {  	s0 =	simm.s32 @!p0 $0x1  }
0x5a: {  	_ =	swait.ge @!p0 [sflag:s0], s1  }
0x5b: {  	s1 =	ssub.s32 @!p0 $0x0, s1;
	[sflag:s0] =	ssyncset.done @!p0 $0x0  }
0x5c: {  	[sflag:s0] =	ssyncadd.s32 @!p0 s1  }
0x5d: {  	[bflag:$0x3] =	sbarrier.arrive $0xFFFF  }
0x5e: {  	_ =	shalt  }

</sc_bundles>
